<compile_context>
chip_gen: v7x
topology: tpu7x:2x2x1
jax: 0.10.2.dev20260603
libtpu: 0.0.44.dev20260713+nightly
codegen_flags: <defaults>
</compile_context>

<pallas_src>
import functools

import jax
import jax.numpy as jnp
from jax import lax
from jax.experimental import pallas as pl
from jax.experimental.pallas import tpu as pltpu
from jax.experimental.pallas import tpu_sc as plsc

N = 16384
C = 1000
NC = 2
NS = 16
NW = NC * NS
ROWS_PER = N // NW
DMA_CH = 4
CH_W = ROWS_PER // DMA_CH

BR = 2048
G = N // BR


def _sc_alpha_gather(targets_2d, alpha_flat):
    mesh = plsc.VectorSubcoreMesh(core_axis_name="c", subcore_axis_name="s")

    @functools.partial(
        pl.kernel,
        mesh=mesh,
        out_type=jax.ShapeDtypeStruct((N // CH_W, CH_W), jnp.float32),
        scratch_types=[
            pltpu.VMEM((DMA_CH, CH_W), jnp.int32),
            pltpu.VMEM((DMA_CH, CH_W), jnp.float32),
            pltpu.VMEM_SHARED((C,), jnp.float32),
            pltpu.SemaphoreType.DMA,
        ],
    )
    def sc_kernel(tgt_hbm, alpha_hbm, out_hbm, t_v, a_v, alpha_s, sem):
        cid = lax.axis_index("c")
        sid = lax.axis_index("s")
        wid = sid * NC + cid

        @pl.when(sid == 0)
        def _stage():
            pltpu.sync_copy(alpha_hbm, alpha_s)

        pltpu.sync_copy(tgt_hbm.at[pl.ds(wid * DMA_CH, DMA_CH)], t_v)
        plsc.subcore_barrier()
        copies = [
            pltpu.async_copy(alpha_s.at[t_v.at[j]], a_v.at[j], sem)
            for j in range(DMA_CH)
        ]
        for cp in copies:
            cp.wait()
        pltpu.sync_copy(a_v, out_hbm.at[pl.ds(wid * DMA_CH, DMA_CH)])

    return sc_kernel(targets_2d, alpha_flat)


def _tc_g(inputs_t, targets_3d):
    def body(x_ref, t_ref, g_ref):
        xb = x_ref[...]
        t = t_ref[0]
        cls = lax.broadcasted_iota(jnp.int32, (C, BR), 0)
        xg = jnp.sum(jnp.where(cls == t, xb, 0.0), axis=0, keepdims=True)
        om = 1.0 - jnp.exp(xg)
        g_ref[0] = om * om * xg

    return pl.pallas_call(
        body,
        grid=(G,),
        in_specs=[
            pl.BlockSpec((C, BR), lambda j: (0, j)),
            pl.BlockSpec((1, 1, BR), lambda j: (j, 0, 0)),
        ],
        out_specs=pl.BlockSpec((1, 1, BR), lambda j: (j, 0, 0)),
        out_shape=jax.ShapeDtypeStruct((G, 1, BR), jnp.float32),
    )(inputs_t, targets_3d)


def _tc_combine(g3, a3):
    def body(g_ref, a_ref, o_ref):
        o_ref[0, 0] = -jnp.sum(g_ref[...] * a_ref[...]) * (1.0 / N)

    return pl.pallas_call(
        body,
        out_specs=pl.BlockSpec(memory_space=pltpu.SMEM),
        out_shape=jax.ShapeDtypeStruct((1, 1), jnp.float32),
    )(g3, a3)


def kernel(inputs, targets, alpha):
    tgt = targets.astype(jnp.int32)
    alpha_flat = alpha.reshape(-1).astype(jnp.float32)
    a_sel = _sc_alpha_gather(tgt.reshape(N // CH_W, CH_W), alpha_flat)
    g3 = _tc_g(inputs.T, tgt.reshape(G, 1, BR))
    out = _tc_combine(g3, a_sel.reshape(G, 1, BR))
    return out[0, 0]

# --- scband reference (transcript-rebuilt; emitter-appended) ---
"""Pipeline reference for scband-focal-loss-1632087572897 (READ-ONLY COPY).

The authoritative reference and input builder live on the scoring server;
editing this copy changes nothing except your own understanding.
"""

import jax, jax.numpy as jnp
import numpy as np

N = 16384
C = 1000
GAMMA = 2

def setup_inputs(seed: int = 0) -> dict:
    key = jax.random.key(seed)
    k1, k2 = jax.random.split(key)
    inputs = jax.random.normal(k1, (N, C), dtype=jnp.float32)
    targets = jax.random.randint(k2, (N,), 0, C, dtype=jnp.int64 if jax.config.jax_enable_x64 else jnp.int32)
    # module-internal alpha: FocalLoss.__init__ with alpha=None -> ones(class_num, 1)
    alpha = jnp.ones((C, 1), dtype=jnp.float32)
    return {"inputs": inputs, "targets": targets, "alpha": alpha}

def reference(inputs, targets, alpha):
    n, c = inputs.shape
    P = jnp.exp(inputs)
    # class_mask: one-hot via scatter-overwrite, matching class_mask.scatter_(1, ids, 1.)
    class_mask = jnp.zeros((n, c), dtype=inputs.dtype).at[jnp.arange(n), targets].set(1.0)
    # alpha = self.alpha[ids.view(-1)] -> gather rows, shape [N, 1]
    alpha_sel = jnp.take(alpha, targets, axis=0)
    probs = (P * class_mask).sum(axis=1).reshape(-1, 1)
    log_p = jnp.log(probs)
    batch_loss = -alpha_sel * jnp.power(1.0 - probs, GAMMA) * log_p
    # size_average=True -> mean
    loss = batch_loss.mean()
    return loss

if __name__ == "__main__":
    import jax
    _d = setup_inputs()
    print(jax.jit(kernel)(*tuple(_d.values())))

</pallas_src>

<mosaic_0001>
#map = affine_map<(d0, d1) -> (0, 0)>
#map1 = affine_map<(d0, d1) -> (0)>
module attributes {stable_mosaic.version = 14 : i64} {
  func.func @sc_kernel(%arg0: i32, %arg1: i32, %arg2: memref<128x128xi32, #tpu.memory_space<hbm>>, %arg3: memref<1000xf32, #tpu.memory_space<hbm>>, %arg4: memref<128x128xf32, #tpu.memory_space<hbm>>, %arg5: memref<4x128xi32, #tpu.memory_space<vmem>>, %arg6: memref<4x128xf32, #tpu.memory_space<vmem>>, %arg7: memref<1000xf32, #tpu.memory_space<vmem_shared>>, %arg8: memref<!tpu.dma_semaphore, #tpu.memory_space<semaphore_mem>>) attributes {dimension_semantics = [#tpu.dimension_semantics<core_parallel>, #tpu.dimension_semantics<subcore_parallel>], iteration_bounds = array<i64: 2, 16>, scalar_prefetch = 0 : i64, scratch_operands = 4 : i64, tpu.core_type = #tpu.core_type<sc_vector_subcore>, window_params = [{transform_indices = #map}, {transform_indices = #map1}, {transform_indices = #map}]} {
    %mul3A = arith.constant 2 : i32
    %mul3A_0 = arith.muli %arg1, %mul3A : i32
    %add3A = arith.addi %mul3A_0, %arg0 : i32
    %eq3A = arith.constant 0 : i32
    %eq3A_1 = arith.cmpi eq, %arg1, %eq3A : i32
    %convert_element_type3A = arith.extui %eq3A_1 : i1 to i32
    %cond3A = arith.constant 0 : i32
    %cond3A_2 = arith.cmpi ne, %convert_element_type3A, %cond3A : i32
    scf.if %cond3A_2 {
      "tpu.region"() ({
        %run_scoped3A = tpu.sem_alloc : memref<!tpu.dma_semaphore, #tpu.memory_space<semaphore_mem>>
        tpu.enqueue_dma source(%arg3 : memref<1000xf32, #tpu.memory_space<hbm>>) target(%arg7 : memref<1000xf32, #tpu.memory_space<vmem_shared>>) target_semaphore(%run_scoped3A : memref<!tpu.dma_semaphore, #tpu.memory_space<semaphore_mem>>)
        tpu.wait_dma2 semaphore(%run_scoped3A : memref<!tpu.dma_semaphore, #tpu.memory_space<semaphore_mem>>) src(%arg3 : memref<1000xf32, #tpu.memory_space<hbm>>) dst(%arg7 : memref<1000xf32, #tpu.memory_space<vmem_shared>>)
        tpu.yield
      }) : () -> ()
    } else {
    }
    %mul3A_3 = arith.constant 4 : i32
    %mul3A_4 = arith.muli %add3A, %mul3A_3 : i32
    "tpu.region"() ({
      %run_scoped3A = tpu.sem_alloc : memref<!tpu.dma_semaphore, #tpu.memory_space<semaphore_mem>>
      %dma_start3A_85 = arith.constant 0 : i32
      %dma_start3A_86 = tpu.memref_slice %arg2[%mul3A_4, %dma_start3A_85] : memref<128x128xi32, #tpu.memory_space<hbm>> -> memref<4x128xi32, #tpu.memory_space<hbm>>
      %dma_start3A_87 = arith.constant 0 : i32
      %dma_start3A_88 = tpu.memref_slice %arg2[%mul3A_4, %dma_start3A_87] : memref<128x128xi32, #tpu.memory_space<hbm>> -> memref<4x128xi32, #tpu.memory_space<hbm>>
      tpu.enqueue_dma source(%dma_start3A_88 : memref<4x128xi32, #tpu.memory_space<hbm>>) target(%arg5 : memref<4x128xi32, #tpu.memory_space<vmem>>) target_semaphore(%run_scoped3A : memref<!tpu.dma_semaphore, #tpu.memory_space<semaphore_mem>>)
      %dma_wait3A_89 = arith.constant 0 : i32
      %dma_wait3A_90 = tpu.memref_slice %arg2[%mul3A_4, %dma_wait3A_89] : memref<128x128xi32, #tpu.memory_space<hbm>> -> memref<4x128xi32, #tpu.memory_space<hbm>>
      %dma_wait3A_91 = arith.constant 0 : i32
      %dma_wait3A_92 = tpu.memref_slice %arg2[%mul3A_4, %dma_wait3A_91] : memref<128x128xi32, #tpu.memory_space<hbm>> -> memref<4x128xi32, #tpu.memory_space<hbm>>
      tpu.wait_dma2 semaphore(%run_scoped3A : memref<!tpu.dma_semaphore, #tpu.memory_space<semaphore_mem>>) src(%dma_wait3A_92 : memref<4x128xi32, #tpu.memory_space<hbm>>) dst(%arg5 : memref<4x128xi32, #tpu.memory_space<vmem>>)
      tpu.yield
    }) : () -> ()
    %barrier3A = arith.constant 0 : index
    tpu.barrier barrier_id(%barrier3A)
    %dma_start3A = arith.constant 0 : i32
    %dma_start3A_5 = arith.constant 0 : i32
    %dma_start3A_6 = arith.constant 0 : i32
    %dma_start3A_7 = tpu.memref_slice %arg6[%dma_start3A_5, %dma_start3A_6] : memref<4x128xf32, #tpu.memory_space<vmem>> -> memref<1x128xf32, #tpu.memory_space<vmem>>
    %dma_start3A_8 = tpu.memref_squeeze %dma_start3A_7 : memref<1x128xf32, #tpu.memory_space<vmem>> -> memref<128xf32, #tpu.memory_space<vmem>>
    %dma_start3A_9 = arith.constant 0 : i32
    %dma_start3A_10 = tpu.memref_slice %arg5[%dma_start3A, %dma_start3A_9] : memref<4x128xi32, #tpu.memory_space<vmem>> -> memref<1x128xi32, #tpu.memory_space<vmem>>
    %dma_start3A_11 = tpu.memref_squeeze %dma_start3A_10 : memref<1x128xi32, #tpu.memory_space<vmem>> -> memref<128xi32, #tpu.memory_space<vmem>>
    %dma_start3A_12 = arith.constant 0 : i32
    %dma_start3A_13 = tpu.memref_slice %arg7[%dma_start3A_12] : memref<1000xf32, #tpu.memory_space<vmem_shared>> -> memref<1000xf32, #tpu.memory_space<vmem_shared>>
    tpu.enqueue_indirect_dma source(%dma_start3A_13 : memref<1000xf32, #tpu.memory_space<vmem_shared>>) target(%dma_start3A_8 : memref<128xf32, #tpu.memory_space<vmem>>) offsets(%dma_start3A_11 : memref<128xi32, #tpu.memory_space<vmem>>) semaphore(%arg8 : memref<!tpu.dma_semaphore, #tpu.memory_space<semaphore_mem>>)
    %dma_start3A_14 = arith.constant 1 : i32
    %dma_start3A_15 = arith.constant 1 : i32
    %dma_start3A_16 = arith.constant 0 : i32
    %dma_start3A_17 = tpu.memref_slice %arg6[%dma_start3A_15, %dma_start3A_16] : memref<4x128xf32, #tpu.memory_space<vmem>> -> memref<1x128xf32, #tpu.memory_space<vmem>>
    %dma_start3A_18 = tpu.memref_squeeze %dma_start3A_17 : memref<1x128xf32, #tpu.memory_space<vmem>> -> memref<128xf32, #tpu.memory_space<vmem>>
    %dma_start3A_19 = arith.constant 0 : i32
    %dma_start3A_20 = tpu.memref_slice %arg5[%dma_start3A_14, %dma_start3A_19] : memref<4x128xi32, #tpu.memory_space<vmem>> -> memref<1x128xi32, #tpu.memory_space<vmem>>
    %dma_start3A_21 = tpu.memref_squeeze %dma_start3A_20 : memref<1x128xi32, #tpu.memory_space<vmem>> -> memref<128xi32, #tpu.memory_space<vmem>>
    %dma_start3A_22 = arith.constant 0 : i32
    %dma_start3A_23 = tpu.memref_slice %arg7[%dma_start3A_22] : memref<1000xf32, #tpu.memory_space<vmem_shared>> -> memref<1000xf32, #tpu.memory_space<vmem_shared>>
    tpu.enqueue_indirect_dma source(%dma_start3A_23 : memref<1000xf32, #tpu.memory_space<vmem_shared>>) target(%dma_start3A_18 : memref<128xf32, #tpu.memory_space<vmem>>) offsets(%dma_start3A_21 : memref<128xi32, #tpu.memory_space<vmem>>) semaphore(%arg8 : memref<!tpu.dma_semaphore, #tpu.memory_space<semaphore_mem>>)
    %dma_start3A_24 = arith.constant 2 : i32
    %dma_start3A_25 = arith.constant 2 : i32
    %dma_start3A_26 = arith.constant 0 : i32
    %dma_start3A_27 = tpu.memref_slice %arg6[%dma_start3A_25, %dma_start3A_26] : memref<4x128xf32, #tpu.memory_space<vmem>> -> memref<1x128xf32, #tpu.memory_space<vmem>>
    %dma_start3A_28 = tpu.memref_squeeze %dma_start3A_27 : memref<1x128xf32, #tpu.memory_space<vmem>> -> memref<128xf32, #tpu.memory_space<vmem>>
    %dma_start3A_29 = arith.constant 0 : i32
    %dma_start3A_30 = tpu.memref_slice %arg5[%dma_start3A_24, %dma_start3A_29] : memref<4x128xi32, #tpu.memory_space<vmem>> -> memref<1x128xi32, #tpu.memory_space<vmem>>
    %dma_start3A_31 = tpu.memref_squeeze %dma_start3A_30 : memref<1x128xi32, #tpu.memory_space<vmem>> -> memref<128xi32, #tpu.memory_space<vmem>>
    %dma_start3A_32 = arith.constant 0 : i32
    %dma_start3A_33 = tpu.memref_slice %arg7[%dma_start3A_32] : memref<1000xf32, #tpu.memory_space<vmem_shared>> -> memref<1000xf32, #tpu.memory_space<vmem_shared>>
    tpu.enqueue_indirect_dma source(%dma_start3A_33 : memref<1000xf32, #tpu.memory_space<vmem_shared>>) target(%dma_start3A_28 : memref<128xf32, #tpu.memory_space<vmem>>) offsets(%dma_start3A_31 : memref<128xi32, #tpu.memory_space<vmem>>) semaphore(%arg8 : memref<!tpu.dma_semaphore, #tpu.memory_space<semaphore_mem>>)
    %dma_start3A_34 = arith.constant 3 : i32
    %dma_start3A_35 = arith.constant 3 : i32
    %dma_start3A_36 = arith.constant 0 : i32
    %dma_start3A_37 = tpu.memref_slice %arg6[%dma_start3A_35, %dma_start3A_36] : memref<4x128xf32, #tpu.memory_space<vmem>> -> memref<1x128xf32, #tpu.memory_space<vmem>>
    %dma_start3A_38 = tpu.memref_squeeze %dma_start3A_37 : memref<1x128xf32, #tpu.memory_space<vmem>> -> memref<128xf32, #tpu.memory_space<vmem>>
    %dma_start3A_39 = arith.constant 0 : i32
    %dma_start3A_40 = tpu.memref_slice %arg5[%dma_start3A_34, %dma_start3A_39] : memref<4x128xi32, #tpu.memory_space<vmem>> -> memref<1x128xi32, #tpu.memory_space<vmem>>
    %dma_start3A_41 = tpu.memref_squeeze %dma_start3A_40 : memref<1x128xi32, #tpu.memory_space<vmem>> -> memref<128xi32, #tpu.memory_space<vmem>>
    %dma_start3A_42 = arith.constant 0 : i32
    %dma_start3A_43 = tpu.memref_slice %arg7[%dma_start3A_42] : memref<1000xf32, #tpu.memory_space<vmem_shared>> -> memref<1000xf32, #tpu.memory_space<vmem_shared>>
    tpu.enqueue_indirect_dma source(%dma_start3A_43 : memref<1000xf32, #tpu.memory_space<vmem_shared>>) target(%dma_start3A_38 : memref<128xf32, #tpu.memory_space<vmem>>) offsets(%dma_start3A_41 : memref<128xi32, #tpu.memory_space<vmem>>) semaphore(%arg8 : memref<!tpu.dma_semaphore, #tpu.memory_space<semaphore_mem>>)
    %dma_wait3A = arith.constant 0 : i32
    %dma_wait3A_44 = arith.constant 0 : i32
    %dma_wait3A_45 = arith.constant 0 : i32
    %dma_wait3A_46 = tpu.memref_slice %arg6[%dma_wait3A_44, %dma_wait3A_45] : memref<4x128xf32, #tpu.memory_space<vmem>> -> memref<1x128xf32, #tpu.memory_space<vmem>>
    %dma_wait3A_47 = tpu.memref_squeeze %dma_wait3A_46 : memref<1x128xf32, #tpu.memory_space<vmem>> -> memref<128xf32, #tpu.memory_space<vmem>>
    %dma_wait3A_48 = arith.constant 0 : i32
    %dma_wait3A_49 = tpu.memref_slice %arg5[%dma_wait3A, %dma_wait3A_48] : memref<4x128xi32, #tpu.memory_space<vmem>> -> memref<1x128xi32, #tpu.memory_space<vmem>>
    %dma_wait3A_50 = tpu.memref_squeeze %dma_wait3A_49 : memref<1x128xi32, #tpu.memory_space<vmem>> -> memref<128xi32, #tpu.memory_space<vmem>>
    %dma_wait3A_51 = arith.constant 0 : i32
    %dma_wait3A_52 = tpu.memref_slice %arg7[%dma_wait3A_51] : memref<1000xf32, #tpu.memory_space<vmem_shared>> -> memref<1000xf32, #tpu.memory_space<vmem_shared>>
    tpu.wait_indirect_dma semaphore(%arg8 : memref<!tpu.dma_semaphore, #tpu.memory_space<semaphore_mem>>) src(%dma_wait3A_52 : memref<1000xf32, #tpu.memory_space<vmem_shared>>) dst(%dma_wait3A_47 : memref<128xf32, #tpu.memory_space<vmem>>)
    %dma_wait3A_53 = arith.constant 1 : i32
    %dma_wait3A_54 = arith.constant 1 : i32
    %dma_wait3A_55 = arith.constant 0 : i32
    %dma_wait3A_56 = tpu.memref_slice %arg6[%dma_wait3A_54, %dma_wait3A_55] : memref<4x128xf32, #tpu.memory_space<vmem>> -> memref<1x128xf32, #tpu.memory_space<vmem>>
    %dma_wait3A_57 = tpu.memref_squeeze %dma_wait3A_56 : memref<1x128xf32, #tpu.memory_space<vmem>> -> memref<128xf32, #tpu.memory_space<vmem>>
    %dma_wait3A_58 = arith.constant 0 : i32
    %dma_wait3A_59 = tpu.memref_slice %arg5[%dma_wait3A_53, %dma_wait3A_58] : memref<4x128xi32, #tpu.memory_space<vmem>> -> memref<1x128xi32, #tpu.memory_space<vmem>>
    %dma_wait3A_60 = tpu.memref_squeeze %dma_wait3A_59 : memref<1x128xi32, #tpu.memory_space<vmem>> -> memref<128xi32, #tpu.memory_space<vmem>>
    %dma_wait3A_61 = arith.constant 0 : i32
    %dma_wait3A_62 = tpu.memref_slice %arg7[%dma_wait3A_61] : memref<1000xf32, #tpu.memory_space<vmem_shared>> -> memref<1000xf32, #tpu.memory_space<vmem_shared>>
    tpu.wait_indirect_dma semaphore(%arg8 : memref<!tpu.dma_semaphore, #tpu.memory_space<semaphore_mem>>) src(%dma_wait3A_62 : memref<1000xf32, #tpu.memory_space<vmem_shared>>) dst(%dma_wait3A_57 : memref<128xf32, #tpu.memory_space<vmem>>)
    %dma_wait3A_63 = arith.constant 2 : i32
    %dma_wait3A_64 = arith.constant 2 : i32
    %dma_wait3A_65 = arith.constant 0 : i32
    %dma_wait3A_66 = tpu.memref_slice %arg6[%dma_wait3A_64, %dma_wait3A_65] : memref<4x128xf32, #tpu.memory_space<vmem>> -> memref<1x128xf32, #tpu.memory_space<vmem>>
    %dma_wait3A_67 = tpu.memref_squeeze %dma_wait3A_66 : memref<1x128xf32, #tpu.memory_space<vmem>> -> memref<128xf32, #tpu.memory_space<vmem>>
    %dma_wait3A_68 = arith.constant 0 : i32
    %dma_wait3A_69 = tpu.memref_slice %arg5[%dma_wait3A_63, %dma_wait3A_68] : memref<4x128xi32, #tpu.memory_space<vmem>> -> memref<1x128xi32, #tpu.memory_space<vmem>>
    %dma_wait3A_70 = tpu.memref_squeeze %dma_wait3A_69 : memref<1x128xi32, #tpu.memory_space<vmem>> -> memref<128xi32, #tpu.memory_space<vmem>>
    %dma_wait3A_71 = arith.constant 0 : i32
    %dma_wait3A_72 = tpu.memref_slice %arg7[%dma_wait3A_71] : memref<1000xf32, #tpu.memory_space<vmem_shared>> -> memref<1000xf32, #tpu.memory_space<vmem_shared>>
    tpu.wait_indirect_dma semaphore(%arg8 : memref<!tpu.dma_semaphore, #tpu.memory_space<semaphore_mem>>) src(%dma_wait3A_72 : memref<1000xf32, #tpu.memory_space<vmem_shared>>) dst(%dma_wait3A_67 : memref<128xf32, #tpu.memory_space<vmem>>)
    %dma_wait3A_73 = arith.constant 3 : i32
    %dma_wait3A_74 = arith.constant 3 : i32
    %dma_wait3A_75 = arith.constant 0 : i32
    %dma_wait3A_76 = tpu.memref_slice %arg6[%dma_wait3A_74, %dma_wait3A_75] : memref<4x128xf32, #tpu.memory_space<vmem>> -> memref<1x128xf32, #tpu.memory_space<vmem>>
    %dma_wait3A_77 = tpu.memref_squeeze %dma_wait3A_76 : memref<1x128xf32, #tpu.memory_space<vmem>> -> memref<128xf32, #tpu.memory_space<vmem>>
    %dma_wait3A_78 = arith.constant 0 : i32
    %dma_wait3A_79 = tpu.memref_slice %arg5[%dma_wait3A_73, %dma_wait3A_78] : memref<4x128xi32, #tpu.memory_space<vmem>> -> memref<1x128xi32, #tpu.memory_space<vmem>>
    %dma_wait3A_80 = tpu.memref_squeeze %dma_wait3A_79 : memref<1x128xi32, #tpu.memory_space<vmem>> -> memref<128xi32, #tpu.memory_space<vmem>>
    %dma_wait3A_81 = arith.constant 0 : i32
    %dma_wait3A_82 = tpu.memref_slice %arg7[%dma_wait3A_81] : memref<1000xf32, #tpu.memory_space<vmem_shared>> -> memref<1000xf32, #tpu.memory_space<vmem_shared>>
    tpu.wait_indirect_dma semaphore(%arg8 : memref<!tpu.dma_semaphore, #tpu.memory_space<semaphore_mem>>) src(%dma_wait3A_82 : memref<1000xf32, #tpu.memory_space<vmem_shared>>) dst(%dma_wait3A_77 : memref<128xf32, #tpu.memory_space<vmem>>)
    %mul3A_83 = arith.constant 4 : i32
    %mul3A_84 = arith.muli %add3A, %mul3A_83 : i32
    "tpu.region"() ({
      %run_scoped3A = tpu.sem_alloc : memref<!tpu.dma_semaphore, #tpu.memory_space<semaphore_mem>>
      %dma_start3A_85 = arith.constant 0 : i32
      %dma_start3A_86 = tpu.memref_slice %arg4[%mul3A_84, %dma_start3A_85] : memref<128x128xf32, #tpu.memory_space<hbm>> -> memref<4x128xf32, #tpu.memory_space<hbm>>
      %dma_start3A_87 = arith.constant 0 : i32
      %dma_start3A_88 = tpu.memref_slice %arg4[%mul3A_84, %dma_start3A_87] : memref<128x128xf32, #tpu.memory_space<hbm>> -> memref<4x128xf32, #tpu.memory_space<hbm>>
      tpu.enqueue_dma source(%arg6 : memref<4x128xf32, #tpu.memory_space<vmem>>) target(%dma_start3A_88 : memref<4x128xf32, #tpu.memory_space<hbm>>) target_semaphore(%run_scoped3A : memref<!tpu.dma_semaphore, #tpu.memory_space<semaphore_mem>>)
      %dma_wait3A_89 = arith.constant 0 : i32
      %dma_wait3A_90 = tpu.memref_slice %arg4[%mul3A_84, %dma_wait3A_89] : memref<128x128xf32, #tpu.memory_space<hbm>> -> memref<4x128xf32, #tpu.memory_space<hbm>>
      %dma_wait3A_91 = arith.constant 0 : i32
      %dma_wait3A_92 = tpu.memref_slice %arg4[%mul3A_84, %dma_wait3A_91] : memref<128x128xf32, #tpu.memory_space<hbm>> -> memref<4x128xf32, #tpu.memory_space<hbm>>
      tpu.wait_dma2 semaphore(%run_scoped3A : memref<!tpu.dma_semaphore, #tpu.memory_space<semaphore_mem>>) src(%arg6 : memref<4x128xf32, #tpu.memory_space<vmem>>) dst(%dma_wait3A_92 : memref<4x128xf32, #tpu.memory_space<hbm>>)
      tpu.yield
    }) : () -> ()
    return
  }
}

module attributes {stable_mosaic.version = 14 : i64} {
  func.func @body(%arg0: memref<8x1x2048xf32, #tpu.memory_space<vmem>>, %arg1: memref<8x1x2048xf32, #tpu.memory_space<vmem>>, %arg2: memref<1x1xf32, #tpu.memory_space<smem>>) attributes {dimension_semantics = [], scalar_prefetch = 0 : i64, scratch_operands = 0 : i64, tpu.core_type = #tpu.core_type<tc>} {
    %get3A = arith.constant 0 : index
    %get3A_0 = arith.constant 0 : index
    %get3A_1 = arith.constant 0 : index
    %get3A_2 = vector.load %arg0[%get3A, %get3A_0, %get3A_1] : memref<8x1x2048xf32, #tpu.memory_space<vmem>>, vector<8x1x2048xf32>
    %get3A_3 = arith.constant 0 : index
    %get3A_4 = arith.constant 0 : index
    %get3A_5 = arith.constant 0 : index
    %get3A_6 = vector.load %arg1[%get3A_3, %get3A_4, %get3A_5] : memref<8x1x2048xf32, #tpu.memory_space<vmem>>, vector<8x1x2048xf32>
    %mul3A = arith.mulf %get3A_2, %get3A_6 : vector<8x1x2048xf32>
    %reduce_sum3A = vector.shape_cast %mul3A : vector<8x1x2048xf32> to vector<1x8x1x2048xf32>
    %reduce_sum3A_7 = arith.constant dense<0.000000e+00> : vector<1xf32>
    %reduce_sum3A_8 = vector.multi_reduction <add>, %reduce_sum3A, %reduce_sum3A_7 [1, 2, 3] : vector<1x8x1x2048xf32> to vector<1xf32>
    %reduce_sum3A_9 = vector.shape_cast %reduce_sum3A_8 : vector<1xf32> to vector<1x1x1x1xf32>
    %reduce_sum3A_10 = vector.extract %reduce_sum3A_9[0, 0, 0, 0] : f32 from vector<1x1x1x1xf32>
    %neg3A = arith.constant 0.000000e+00 : f32
    %neg3A_11 = arith.subf %neg3A, %reduce_sum3A_10 : f32
    %mul3A_12 = arith.constant 6.10351563E-5 : f32
    %mul3A_13 = arith.mulf %neg3A_11, %mul3A_12 : f32
    %swap3A = arith.constant 0 : index
    %swap3A_14 = arith.constant 0 : index
    %swap3A_15 = memref.load %arg2[%swap3A, %swap3A_14] : memref<1x1xf32, #tpu.memory_space<smem>>
    memref.store %mul3A_13, %arg2[%swap3A, %swap3A_14] : memref<1x1xf32, #tpu.memory_space<smem>>
    return
  }
}

module attributes {stable_mosaic.version = 14 : i64} {
  func.func @body(%arg0: i32, %arg1: memref<1000x2048xf32, #tpu.memory_space<vmem>>, %arg2: memref<1x1x2048xi32, #tpu.memory_space<vmem>>, %arg3: memref<1x1x2048xf32, #tpu.memory_space<vmem>>) attributes {dimension_semantics = [#tpu.dimension_semantics<arbitrary>], iteration_bounds = array<i64: 8>, scalar_prefetch = 0 : i64, scratch_operands = 0 : i64, tpu.core_type = #tpu.core_type<tc>, window_params = [{transform_indices = @transform_0, window_bounds = array<i64: 1000, 2048>}, {transform_indices = @transform_1, window_bounds = array<i64: 1, 1, 2048>}, {transform_indices = @transform_2, window_bounds = array<i64: 1, 1, 2048>}]} {
    %get3A = arith.constant 0 : index
    %get3A_0 = arith.constant 0 : index
    %get3A_1 = vector.load %arg1[%get3A, %get3A_0] : memref<1000x2048xf32, #tpu.memory_space<vmem>>, vector<1000x2048xf32>
    %get3A_2 = arith.constant 0 : index
    %get3A_3 = arith.constant 0 : index
    %get3A_4 = arith.constant 0 : index
    %get3A_5 = vector.load %arg2[%get3A_2, %get3A_3, %get3A_4] : memref<1x1x2048xi32, #tpu.memory_space<vmem>>, vector<1x1x2048xi32>
    %get3A_6 = vector.shape_cast %get3A_5 : vector<1x1x2048xi32> to vector<1x2048xi32>
    %iota3A = tpu.iota {dimensions = array<i32: 0>} : vector<1000x2048xi32>
    %eq3A = vector.broadcast %get3A_6 : vector<1x2048xi32> to vector<1000x2048xi32>
    %eq3A_7 = arith.cmpi eq, %iota3A, %eq3A : vector<1000x2048xi32>
    %jit3A = arith.constant 0.000000e+00 : f32
    %broadcast_in_dim3A = vector.broadcast %jit3A : f32 to vector<1000x2048xf32>
    %select_n3A = arith.select %eq3A_7, %get3A_1, %broadcast_in_dim3A : vector<1000x2048xi1>, vector<1000x2048xf32>
    %reduce_sum3A = arith.constant dense<0.000000e+00> : vector<2048xf32>
    %reduce_sum3A_8 = vector.multi_reduction <add>, %select_n3A, %reduce_sum3A [0] : vector<1000x2048xf32> to vector<2048xf32>
    %broadcast_in_dim3A_9 = vector.shape_cast %reduce_sum3A_8 : vector<2048xf32> to vector<1x2048xf32>
    %exp3A = math.exp %broadcast_in_dim3A_9 : vector<1x2048xf32>
    %sub3A = arith.constant 1.000000e+00 : f32
    %sub3A_10 = vector.broadcast %sub3A : f32 to vector<1x2048xf32>
    %sub3A_11 = arith.subf %sub3A_10, %exp3A : vector<1x2048xf32>
    %mul3A = arith.mulf %sub3A_11, %sub3A_11 : vector<1x2048xf32>
    %mul3A_12 = arith.mulf %mul3A, %broadcast_in_dim3A_9 : vector<1x2048xf32>
    %swap3A = arith.constant 0 : index
    %swap3A_13 = arith.constant 0 : index
    %swap3A_14 = arith.constant 0 : index
    %swap3A_15 = vector.load %arg3[%swap3A, %swap3A_13, %swap3A_14] : memref<1x1x2048xf32, #tpu.memory_space<vmem>>, vector<1x1x2048xf32>
    %swap3A_16 = vector.shape_cast %swap3A_15 : vector<1x1x2048xf32> to vector<1x2048xf32>
    %swap3A_17 = vector.shape_cast %mul3A_12 : vector<1x2048xf32> to vector<1x1x2048xf32>
    tpu.vector_store %arg3[%swap3A, %swap3A_13, %swap3A_14], %swap3A_17 {strides = array<i32>} : memref<1x1x2048xf32, #tpu.memory_space<vmem>>, vector<1x1x2048xf32>,
    return
  }
  func.func @transform_0(%arg0: i32) -> (i32, i32) {
    %c0_i32 = arith.constant 0 : i32
    %c0_i32_0 = arith.constant 0 : i32
    return %c0_i32, %arg0 : i32, i32
  }
  func.func @transform_1(%arg0: i32) -> (i32, i32, i32) {
    %c0_i32 = arith.constant 0 : i32
    %c0_i32_0 = arith.constant 0 : i32
    %c0_i32_1 = arith.constant 0 : i32
    return %arg0, %c0_i32, %c0_i32_0 : i32, i32, i32
  }
  func.func @transform_2(%arg0: i32) -> (i32, i32, i32) {
    %c0_i32 = arith.constant 0 : i32
    %c0_i32_0 = arith.constant 0 : i32
    %c0_i32_1 = arith.constant 0 : i32
    return %arg0, %c0_i32, %c0_i32_0 : i32, i32, i32
  }
}

</mosaic_0001>

<sc_bundles>
// kernel: kernel.5.cloned.1.call-start
scs
__scs_entry_jumppad:
0x0: {  	(pc) =	sbr.rel $0x88, $3  }
0x1: {  	(tag) =	ssettag $0x0;
	lr =	simm.s32 $0x1  }
0x2: {  	[smem:$0x3F9E] =	sst lr;
	_ =	strace $0xD0000000  }
0x3: {  	_ = 	snop  }
0x4: {  	_ = 	snop  }
0x5: {  	_ = 	snop  }
0x6: {  	_ = 	snop  }
0x7: {  	_ = 	snop  }
__scs_overlays_trampoline_lowered:
0x8: {  	[smem:$0x3FAD] =	sst s0  }
0x9: {  	[smem:$0x3FAE] =	sst s1  }
0xa: {  	[smem:$0x3FAF] =	sst s2  }
0xb: {  	[smem:$0x3FB0] =	sst s3  }
0xc: {  	[smem:$0x3FB1] =	sst s4  }
0xd: {  	[smem:$0x3FB2] =	sst s5  }
0xe: {  	[smem:$0x3FB3] =	sst s6  }
0xf: {  	[smem:$0x3FB4] =	sst s7  }
0x10: {  	[smem:$0x3FB5] =	sst s8  }
0x11: {  	[smem:$0x3FB6] =	sst s9;
	s0 =	simm.s32 @!p0 $0x0  }
0x12: {  	s1 =	sld [smem:$0x3F9C];
	s0 =	simm.s32 @p0 $0x1  }
0x13: {  	[smem:$0x3FB7] =	sst s0;
	s0 =	simm.s32 @!p1 $0x0  }
0x14: {  	s2 =	sld [smem:$0x3F9B];
	s0 =	simm.s32 @p1 $0x1  }
0x15: {  	[smem:$0x3FB8] =	sst s0;
	s0 =	simm.s32 @!p2 $0x0  }
0x16: {  	s3 =	sld [smem:$0x3FDB];
	s0 =	simm.s32 @p2 $0x1  }
0x17: {  	s4 =	simm.s32 $0x1BF5;
	[smem:$0x3FBA] =	sst s0  }
0x18: {  	s0 =	sld [smem:$0x3F9D];
	_ =	swait.ge [sflag:s4], $0x0  }
0x19: {  	s7 =	sld [smem:$0x3F9E]  }
0x1a: {  	s8 =	sadd.s32 $0xFFFFE003, lr  }
0x1b: {  	s9 =	sadd.s32 $0xFFFFFEF7, lr;
	s5 =	simm.s32 $0xFFFFFFFF;
	p2 =	slt.u32 s8, $0xFFFFF086  }
0x1c: {  	p1 =	slt.u32 s9, $0xF7A;
	s5 =	simm.s32 @!p2 $0x0  }
0x1d: {  	s5 =	simm.s32 @p1 $0x1;
	p0 =	seq.s32 s7, s2  }
0x1e: {  	s7 =	smul.u32 @!p0 $0xF7A, s2;
	p2 =	seq.s32 @!p0 s5, $0x0  }
0x1f: {  	s9 =	smul.u32 $0xF7A, s1;
	s8 =	simm.s32 @!p0 $0x1BF5;
	p2 =	por !p2, p0  }
0x20: {  	[sflag:s8] =	ssyncset.s32 @!p0 $0xFFFFF086;
	s6 =	sadd.s32 @!p0 s3, s7;
	s7 =	simm.s32 @!p0 $0x108  }
0x21: {  	s3 =	sadd.s32 s3, s9;
	s6 =	sadd.s32 @!p0 $0x88, s6;
	s7 =	simm.s32 @p2 $0x1082  }
0x22: {  	[simem:s7], [sflag:s8] =	dma.local @!p0 [hbm:s6], $0xF7A  }
0x23: {  	s9 =	sor.u32 $0xD0000000, s2;
	s6 =	simm.s32 $0x108;
	_ =	swait.ge @!p0 [sflag:s8], $0x0  }
0x24: {  	s3 =	sadd.s32 $0x88, s3;
	s6 =	simm.s32 @!p1 $0x1082;
	[sflag:s4] =	ssyncset.s32 $0xFFFFF086  }
0x25: {  	[simem:s6], [sflag:s4] =	dma.local [hbm:s3], $0xF7A  }
0x26: {  	[smem:$0x3F9E] =	sst s1;
	(tag) =	ssettag s2;
	_ =	strace s9  }
0x27: {  	s1 =	sld [smem:$0x3FAE]  }
0x28: {  	s2 =	sld [smem:$0x3FAF]  }
0x29: {  	s4 =	sld [smem:$0x3FB1]  }
0x2a: {  	p0 =	seq.s32 s5, $0x0;
	s5 =	sld [smem:$0x3FB2]  }
0x2b: {  	s6 =	sld [smem:$0x3FB3]  }
0x2c: {  	s7 =	sld [smem:$0x3FB4]  }
0x2d: {  	s3 =	simm.s32 $0x108;
	s8 =	sld [smem:$0x3FB5]  }
0x2e: {  	s3 =	simm.s32 @!p0 $0x1082;
	s9 =	sld [smem:$0x3FB6]  }
0x2f: {  	lr =	sadd.s32 s0, s3;
	s0 =	sld [smem:$0x3FAD]  }
0x30: {  	s3 =	sld [smem:$0x3FB0]  }
0x31: {  	[smem:$0x3FB9] =	sst s10  }
0x32: {  	s10 =	sld [smem:$0x3FB7];
	_ =	sdelay $0x3  }
0x33: {  	p0 =	seq.s32 s10, $0x1;
	s10 =	sld [smem:$0x3FB9];
	_ =	sdelay $0x3  }
0x34: {  	[smem:$0x3FB9] =	sst s10  }
0x35: {  	s10 =	sld [smem:$0x3FB8];
	_ =	sdelay $0x3  }
0x36: {  	p1 =	seq.s32 s10, $0x1;
	s10 =	sld [smem:$0x3FB9];
	_ =	sdelay $0x3  }
0x37: {  	[smem:$0x3FB9] =	sst s10  }
0x38: {  	s10 =	sld [smem:$0x3FBA]  }
0x39: {  	_ = 	snop;
	(pc) =	sbr.ind lr, $3  }
0x3a: {  	_ = 	snop  }
0x3b: {  	_ = 	snop  }
0x3c: {  	p2 =	seq.s32 s10, $0x1;
	s10 =	sld [smem:$0x3FB9]  }
0x3d: {  	_ =	shalt  }
0x3e: {  	_ =	shalt  }
0x3f: {  	_ =	shalt  }
0x40: {  	_ =	shalt  }
0x41: {  	_ =	shalt  }
0x42: {  	_ =	shalt  }
0x43: {  	_ =	shalt  }
0x44: {  	_ =	shalt  }
0x45: {  	_ =	shalt  }
0x46: {  	_ =	shalt  }
0x47: {  	_ =	shalt  }
0x48: {  	_ =	shalt  }
0x49: {  	_ =	shalt  }
0x4a: {  	_ =	shalt  }
0x4b: {  	_ =	shalt  }
0x4c: {  	_ =	shalt  }
0x4d: {  	_ =	shalt  }
0x4e: {  	_ =	shalt  }
0x4f: {  	_ =	shalt  }
0x50: {  	_ =	shalt  }
0x51: {  	_ =	shalt  }
0x52: {  	_ =	shalt  }
0x53: {  	_ =	shalt  }
0x54: {  	_ =	shalt  }
0x55: {  	_ =	shalt  }
0x56: {  	_ =	shalt  }
0x57: {  	_ =	shalt  }
0x58: {  	_ =	shalt  }
0x59: {  	_ =	shalt  }
0x5a: {  	_ =	shalt  }
0x5b: {  	_ =	shalt  }
0x5c: {  	_ =	shalt  }
0x5d: {  	_ =	shalt  }
0x5e: {  	_ =	shalt  }
0x5f: {  	_ =	shalt  }
0x60: {  	_ =	shalt  }
0x61: {  	_ =	shalt  }
0x62: {  	_ =	shalt  }
0x63: {  	_ =	shalt  }
0x64: {  	_ =	shalt  }
0x65: {  	_ =	shalt  }
0x66: {  	_ =	shalt  }
0x67: {  	_ =	shalt  }
0x68: {  	_ =	shalt  }
0x69: {  	_ =	shalt  }
0x6a: {  	_ =	shalt  }
0x6b: {  	_ =	shalt  }
0x6c: {  	_ =	shalt  }
0x6d: {  	_ =	shalt  }
0x6e: {  	_ =	shalt  }
0x6f: {  	_ =	shalt  }
0x70: {  	_ =	shalt  }
0x71: {  	_ =	shalt  }
0x72: {  	_ =	shalt  }
0x73: {  	_ =	shalt  }
0x74: {  	_ =	shalt  }
0x75: {  	_ =	shalt  }
0x76: {  	_ =	shalt  }
0x77: {  	_ =	shalt  }
0x78: {  	_ =	shalt  }
0x79: {  	_ =	shalt  }
0x7a: {  	_ =	shalt  }
0x7b: {  	_ =	shalt  }
0x7c: {  	_ =	shalt  }
0x7d: {  	_ =	shalt  }
0x7e: {  	_ =	shalt  }
0x7f: {  	_ =	shalt  }
0x80: {  	_ =	shalt  }
0x81: {  	_ =	shalt  }
0x82: {  	_ =	shalt  }
0x83: {  	_ =	shalt  }
0x84: {  	_ =	shalt  }
0x85: {  	_ =	shalt  }
0x86: {  	_ =	shalt  }
0x87: {  	_ =	shalt  }
.Lfunc_end0:
.L_simem_size_0:
called_computation_lowered:
.L_overlay_start_0:
0x88: {  	s2 =	sld [smem:$0x3FD9]  }
0x89: {  	s3 =	sld [smem:$0x3FFE];
	_ =	sdelay $0x1  }
0x8a: {  	s1 =	srdreg.scid  }
0x8b: {  	s0 =	sand.u32 $0x1, s1  }
0x8c: {  	s17 =	sshll.u32 s0, $0xA;
	s2 =	sadd.s32 s3, s2  }
0x8d: {  	s2 =	sadd.s32 s2, s17  }
0x8e: {  	[smem:$0x3FC5] =	sst s2  }
0x8f: {  	_ = 	snop  }
0x90: {  	s2 =	sld [smem:$0x3FC8]  }
0x91: {  	s18 =	sld [smem:$0x3FC7];
	(tm) =	ssettm $0x1  }
0x92: {  	s4 =	sld [smem:$0x3FFB];
	_ =	sdelay $0x3  }
0x93: {  	_ =	strace s4  }
0x94: {  	s4 =	sld [smem:$0x3FFC];
	_ =	sdelay $0x3  }
0x95: {  	_ =	strace s4  }
0x96: {  	s4 =	sld [smem:$0x3FFD];
	_ =	sdelay $0x3  }
0x97: {  	_ =	strace s4  }
0x98: {  	_ =	strace $0x8FFFFFFF  }
0x99: {  	s19 =	sld [smem:$0x3FDB];
	_ =	sdelay $0x1  }
0x9a: {  	s5 =	simm.s32 $_scs_section_size  }
0x9b: {  	s6 =	simm.s32 $_size__tile_overlayer_lowered;
	s7 =	simm.s32 $_tile_overlayer_lowered  }
0x9c: {  	s22 =	simm.s32 $0x1BFF;
	s21 =	sshll.u32 s7, $0x1;
	s4 =	sadd.s32 s5, s19  }
0x9d: {  	s8 =	simm.s32 $0x0;
	s20 =	sshll.u32 s6, $0x1;
	s6 =	sadd.s32 s21, s4  }
0x9e: {  	[timem:s8], [sflag:s22] =	dma.local [hbm:s6], s20  }
0x9f: {  	_ =	swait.ge [sflag:s22], s20  }
0xa0: {  	s5 =	ssub.s32 $0x0, s20;
	[sflag:s22] =	ssyncset.done $0x0  }
0xa1: {  	[sflag:s22] =	ssyncadd.s32 s5;
	_ =	sdelay $0x1  }
0xa2: {  	s23 =	simm.s32 $0x1B8B  }
0xa3: {  	_ =	swait.ge [sflag:s23], $0x1  }
0xa4: {  	[sflag:s23] =	ssyncset.done $0x0  }
0xa5: {  	s25 =	simm.s32 $0x1B8E;
	s24 =	sld [smem:$0x3FFE];
	[sflag:s23] =	ssyncadd.s32 $0xFFFFFFFF  }
0xa6: {  	s26 =	simm.s32 $execute0_lowered;
	[smem:$0x3FD2] =	sst s25  }
0xa7: {  	s6 =	sshll.u32 s26, $0x1;
	_ =	strace $0x80000046;
	[dreg:$0x1] =	wrdreg $0xFFFFFFFF  }
0xa8: {  	s28 =	simm.s32 $_size_execute0_lowered;
	s4 =	sadd.s32 s4, s6;
	[dreg:$0x0] =	wrdreg $0x0  }
0xa9: {  	s6 =	sshll.u32 s28, $0x1;
	[dreg:$0x2] =	wrdreg s4  }
0xaa: {  	[dreg:$0x3] =	wrdreg s6  }
0xab: {  	[dreg:$0x4] =	wrdreg $0xC0  }
0xac: {  	_ =	task [dreg:s8], $0x5FFFF  }
0xad: {  	[dreg:$0x1] =	wrdreg $0xFFFFFFFF  }
0xae: {  	[dreg:$0x0] =	wrdreg $0x60  }
0xaf: {  	[dreg:$0x2] =	wrdreg s2  }
0xb0: {  	[dreg:$0x3] =	wrdreg s18  }
0xb1: {  	[dreg:$0x4] =	wrdreg s24  }
0xb2: {  	[dreg:$0x5] =	wrdreg $0x4000  }
0xb3: {  	[dreg:$0x6] =	wrdreg $0x9  }
0xb4: {  	_ =	task.clear_ibuf [dreg:s8], $0x7FFFF;
	_ =	strace $0x90000046  }
0xb5: {  	s29 =	simm.s32 $0x9;
	_ =	strace $0x80000048  }
0xb6: {  	_ =	swait.ge [sflag:s29], $0x1  }
0xb7: {  	[sflag:s29] =	ssyncadd.s32 $0xFFFFFFFF  }
0xb8: {  	_ =	strace $0x90000048  }
0xb9: {  	_ =	sfence  }
0xba: {  	s30 =	sld [smem:$0x0];
	_ =	sdelay $0x2  }
0xbb: {  	s31 =	sshll.u32 s1, $0xD;
	s1 =	sshrl.u32 s1, $0x2  }
0xbc: {  	s3 =	sand.u32 $0x4000, s31;
	s1 =	sadd.s32 s1, s30  }
0xbd: {  	s0 =	sor.u32 s3, s0;
	s1 =	sshll.u32 s1, $0x11  }
0xbe: {  	s0 =	sor.u32 s1, s0  }
0xbf: {  	s0 =	sadd.s32 $0x8F2B, s0  }
0xc0: {  	[sflag:s0] =	ssyncadd.remote.s32 $0x1  }
0xc1: {  	_ =	sfence.sel $0xFFFF  }
0xc2: {  	[dreg:$0x0] =	wrdreg $0xFFFFFFFF;
	(pc) =	sbr.abs _section_cstart, $3  }
0xc3: {  	[dreg:$0x1] =	wrdreg $0xFFFFFFFF  }
0xc4: {  	_ =	task.clear_ibuf [dreg:s8], $0x2FFFF;
	_ =	strace $0x9FFFFFFF  }
0xc5: {  	(tm) =	ssettm $0x7FFFFFFF  }
tec
execute0_lowered:
.L_overlay_start_1:
0x0: {  	(tag) =	ssettag $0x1  }
0x1: {  	s3 =	rddreg [dreg:$0x0];
	s1 =	srdreg.scid  }
0x2: {  	s6 =	rddreg [dreg:$0x1];
	s7 =	sand.u32 $0x1, s1  }
0x3: {  	s4 =	rddreg [dreg:$0x2];
	s9 =	sshll.u32 s7, $0x6;
	s7 =	ssub.s32 $0x2, s7  }
0x4: {  	s2 =	rddreg [dreg:$0x3];
	s31 =	sshrl.u32 s7, $0x1  }
0x5: {  	s0 =	rddreg [dreg:$0x4];
	s5 =	stileid.u32;
	s7 =	ssub.s32 s7, s31  }
0x6: {  	s10 =	simm.s32 $0x280;
	s11 =	simm.s32 $0x100;
	s7 =	smax.u32 s7, $0x1  }
0x7: {  	s12 =	simm.s32 $0x300;
	s13 =	simm.s32 $0x180;
	s18 =	sadd.s32 $0xFFFFFFFF, s7  }
0x8: {  	s14 =	simm.s32 $0x380;
	p1 =	por $0x0, $0x0;
	p2 =	sne.s32 s18, $0x0  }
.Ltmp0:
0x9: {  	s1 =	simm.s32 $0x0;
	s8 =	sshll.u32 s5, $0x7;
	(pc) =	sbr.rel @!p2 .LBB2_3-.Ltmp0, $4  }
0xa: {  	p0 =	sne.s32 s5, $0x0;
	s5 =	simm.s32 $0x200;
	[smem:$0x7FF] =	sst s1  }
0xb: {  	s15 =	sshrl.u32 @!p0 s2, $0x3;
	s8 =	sor.u32 s9, s8;
	_ =	strace $0x80000047  }
0xc: {  	s4 =	sadd.s32 s8, s4;
	s9 =	sadd.s32 s3, s8;
	s8 =	simm.s32 $0x80  }
0xd: {  	s3 =	sadd.s32 $0x800, s4;
	s4 =	simm.s32 $0x2;
	s7 =	simm.s32 $0x1  }
0xe: {  	s16 =	simm.s32 @!p0 $0x1C02;
	s17 =	simm.s32 @!p0 $0x2  }
0xf: {  	[spmem:s15], [sflag:s16] =	dma.local @!p0 [hbm:s6], $0x80  }
0x10: {  	_ =	swait.ge @!p0 [sflag:s17], $0x80  }
0x11: {  	[sflag:s17] =	ssyncset.done @!p0 $0x0  }
0x12: {  	[sflag:s17] =	ssyncadd.s32 @!p0 $0xFFFFFF80  }
0x13: {  	[tilespmem:s1], [sflag:$0x2] =	stream.linear.gather [hbm4b:s9+s1], $0x200, $0x38;
	[tilespmem:$0x440] =	vst v63  }
0x14: {  	_ =	swait.ge [sflag:s4], $0x200  }
0x15: {  	[sflag:s4] =	ssyncset.done $0x0  }
0x16: {  	[sflag:s4] =	ssyncadd.s32 $0xFFFFFE00  }
0x17: {  	[bflag:$0x0] =	sbarrier.arrive $0xFFFF  }
0x18: {  	[tilespmem:s5], [sflag:$0x1] =	stream.indirect.gather [spmem:s2], $0x1, s1, s8, $0xb8;
	[tilespmem:$0x440] =	vst v63  }
0x19: {  	_ = 	snop  }
0x1a: {  	[tilespmem:s10], [sflag:$0x1] =	stream.indirect.gather [spmem:s2], $0x1, s8, s8, $0xb8;
	[tilespmem:$0x440] =	vst v63  }
0x1b: {  	_ = 	snop  }
0x1c: {  	[tilespmem:s12], [sflag:$0x1] =	stream.indirect.gather [spmem:s2], $0x1, s11, s8, $0xb8;
	[tilespmem:$0x440] =	vst v63  }
0x1d: {  	_ = 	snop  }
0x1e: {  	[tilespmem:s14], [sflag:$0x1] =	stream.indirect.gather [spmem:s2], $0x1, s13, s8, $0xb8;
	[tilespmem:$0x440] =	vst v63  }
0x1f: {  	_ =	swait.ge [sflag:s7], $0x80  }
0x20: {  	[sflag:s7] =	ssyncset.done $0x0  }
0x21: {  	[sflag:s7] =	ssyncadd.s32 $0xFFFFFF80  }
0x22: {  	_ =	swait.ge [sflag:s7], $0x80  }
0x23: {  	[sflag:s7] =	ssyncset.done $0x0  }
0x24: {  	[sflag:s7] =	ssyncadd.s32 $0xFFFFFF80  }
0x25: {  	_ =	swait.ge [sflag:s7], $0x80  }
0x26: {  	[sflag:s7] =	ssyncset.done $0x0  }
0x27: {  	s18 =	sadd.s32 $0xFFFFFFFF, s18;
	[sflag:s7] =	ssyncadd.s32 $0xFFFFFF80  }
0x28: {  	p2 =	sne.s32 s18, $0x0;
	_ =	swait.ge [sflag:s7], $0x80  }
.Ltmp1:
0x29: {  	[sflag:s7] =	ssyncset.done $0x0;
	(pc) =	sbr.rel @!p2 .LBB2_3-.Ltmp1, $4  }
0x2a: {  	[sflag:s7] =	ssyncadd.s32 $0xFFFFFF80  }
0x2b: {  	[hbm4b:s3+s1] =	stream.linear.scatter [tilespmem:s5], [sflag:$0x2], $0x200, $0x38;
	[tilespmem:$0x440] =	vst v63  }
0x2c: {  	_ =	swait.ge [sflag:s4], $0x200  }
0x2d: {  	p1 =	por $0x1, $0x1;
	[sflag:s4] =	ssyncset.done $0x0  }
.LBB2_2:
0x2e: {  	[sflag:s4] =	ssyncadd.s32 $0xFFFFFE00  }
0x2f: {  	[spmem:s15], [sflag:s16] =	dma.local @!p0 [hbm:s6], $0x80  }
0x30: {  	s18 =	sadd.s32 $0xFFFFFFFF, s18;
	_ =	swait.ge @!p0 [sflag:s17], $0x80  }
0x31: {  	p2 =	sne.s32 s18, $0x0;
	[sflag:s17] =	ssyncset.done @!p0 $0x0  }
0x32: {  	[sflag:s17] =	ssyncadd.s32 @!p0 $0xFFFFFF80  }
0x33: {  	[tilespmem:s1], [sflag:$0x2] =	stream.linear.gather [hbm4b:s9+s1], $0x200, $0x38;
	[tilespmem:$0x440] =	vst v63  }
0x34: {  	_ =	swait.ge [sflag:s4], $0x200  }
0x35: {  	[sflag:s4] =	ssyncset.done $0x0  }
0x36: {  	[sflag:s4] =	ssyncadd.s32 $0xFFFFFE00  }
0x37: {  	[bflag:$0x0] =	sbarrier.arrive $0xFFFF  }
0x38: {  	[tilespmem:s5], [sflag:$0x1] =	stream.indirect.gather [spmem:s2], $0x1, s1, s8, $0xb8;
	[tilespmem:$0x440] =	vst v63  }
0x39: {  	_ = 	snop  }
0x3a: {  	[tilespmem:s10], [sflag:$0x1] =	stream.indirect.gather [spmem:s2], $0x1, s8, s8, $0xb8;
	[tilespmem:$0x440] =	vst v63  }
0x3b: {  	_ = 	snop  }
0x3c: {  	[tilespmem:s12], [sflag:$0x1] =	stream.indirect.gather [spmem:s2], $0x1, s11, s8, $0xb8;
	[tilespmem:$0x440] =	vst v63  }
0x3d: {  	_ = 	snop  }
0x3e: {  	[tilespmem:s14], [sflag:$0x1] =	stream.indirect.gather [spmem:s2], $0x1, s13, s8, $0xb8;
	[tilespmem:$0x440] =	vst v63  }
0x3f: {  	_ =	swait.ge [sflag:s7], $0x80  }
0x40: {  	[sflag:s7] =	ssyncset.done $0x0  }
0x41: {  	[sflag:s7] =	ssyncadd.s32 $0xFFFFFF80  }
0x42: {  	_ =	swait.ge [sflag:s7], $0x80  }
0x43: {  	[sflag:s7] =	ssyncset.done $0x0  }
0x44: {  	[sflag:s7] =	ssyncadd.s32 $0xFFFFFF80  }
0x45: {  	_ =	swait.ge [sflag:s7], $0x80  }
0x46: {  	[sflag:s7] =	ssyncset.done $0x0  }
0x47: {  	[sflag:s7] =	ssyncadd.s32 $0xFFFFFF80  }
0x48: {  	_ =	swait.ge [sflag:s7], $0x80  }
.Ltmp2:
0x49: {  	[sflag:s7] =	ssyncset.done $0x0;
	(pc) =	sbr.rel @p2 .LBB2_2-.Ltmp2, $4  }
0x4a: {  	[sflag:s7] =	ssyncadd.s32 $0xFFFFFF80  }
0x4b: {  	[hbm4b:s3+s1] =	stream.linear.scatter [tilespmem:s5], [sflag:$0x2], $0x200, $0x38;
	[tilespmem:$0x440] =	vst v63  }
0x4c: {  	_ =	swait.ge [sflag:s4], $0x200  }
0x4d: {  	[sflag:s4] =	ssyncset.done $0x0  }
.LBB2_3:
0x4e: {  	s16 =	simm.s32 @!p0 $0x1C02;
	s17 =	simm.s32 @!p0 $0x2;
	[sflag:s4] =	ssyncadd.s32 @p1 $0xFFFFFE00  }
0x4f: {  	[spmem:s15], [sflag:s16] =	dma.local @!p0 [hbm:s6], $0x80  }
0x50: {  	_ =	swait.ge @!p0 [sflag:s17], $0x80  }
0x51: {  	[sflag:s17] =	ssyncset.done @!p0 $0x0  }
0x52: {  	[sflag:s17] =	ssyncadd.s32 @!p0 $0xFFFFFF80  }
0x53: {  	[tilespmem:s1], [sflag:$0x2] =	stream.linear.gather [hbm4b:s9+s1], $0x200, $0x38;
	[tilespmem:$0x440] =	vst v63  }
0x54: {  	_ =	swait.ge [sflag:s4], $0x200  }
0x55: {  	[sflag:s4] =	ssyncset.done $0x0  }
0x56: {  	[sflag:s4] =	ssyncadd.s32 $0xFFFFFE00  }
0x57: {  	[bflag:$0x0] =	sbarrier.arrive $0xFFFF  }
0x58: {  	[tilespmem:s5], [sflag:$0x1] =	stream.indirect.gather [spmem:s2], $0x1, s1, s8, $0xb8;
	[tilespmem:$0x440] =	vst v63  }
0x59: {  	_ = 	snop  }
0x5a: {  	[tilespmem:s10], [sflag:$0x1] =	stream.indirect.gather [spmem:s2], $0x1, s8, s8, $0xb8;
	[tilespmem:$0x440] =	vst v63  }
0x5b: {  	_ = 	snop  }
0x5c: {  	[tilespmem:s12], [sflag:$0x1] =	stream.indirect.gather [spmem:s2], $0x1, s11, s8, $0xb8;
	[tilespmem:$0x440] =	vst v63  }
0x5d: {  	_ = 	snop  }
0x5e: {  	[tilespmem:s14], [sflag:$0x1] =	stream.indirect.gather [spmem:s2], $0x1, s13, s8, $0xb8;
	[tilespmem:$0x440] =	vst v63  }
0x5f: {  	_ =	swait.ge [sflag:s7], $0x80  }
0x60: {  	[sflag:s7] =	ssyncset.done $0x0  }
0x61: {  	[sflag:s7] =	ssyncadd.s32 $0xFFFFFF80  }
0x62: {  	_ =	swait.ge [sflag:s7], $0x80  }
0x63: {  	[sflag:s7] =	ssyncset.done $0x0  }
0x64: {  	[sflag:s7] =	ssyncadd.s32 $0xFFFFFF80  }
0x65: {  	_ =	swait.ge [sflag:s7], $0x80  }
0x66: {  	[sflag:s7] =	ssyncset.done $0x0  }
0x67: {  	[sflag:s7] =	ssyncadd.s32 $0xFFFFFF80  }
0x68: {  	_ =	swait.ge [sflag:s7], $0x80  }
0x69: {  	[sflag:s7] =	ssyncset.done $0x0  }
0x6a: {  	[sflag:s7] =	ssyncadd.s32 $0xFFFFFF80  }
0x6b: {  	[hbm4b:s3+s1] =	stream.linear.scatter [tilespmem:s5], [sflag:$0x2], $0x200, $0x38;
	[tilespmem:$0x440] =	vst v63  }
0x6c: {  	_ =	swait.ge [sflag:s4], $0x200  }
0x6d: {  	[sflag:s4] =	ssyncset.done $0x0  }
0x6e: {  	[sflag:s4] =	ssyncadd.s32 $0xFFFFFE00  }
0x6f: {  	_ =	sfence.sel $0x180000  }
0x70: {  	[bflag:$0x0] =	sbarrier.arrive $0xFFFF  }
0x71: {  	_ =	strace $0x90000047  }
0x72: {  	s0 =	sadd.s32 @!p0 $0x100000, s0;
	[bflag:$0x2] =	sbarrier.arrive $0xFFFF  }
0x73: {  	[sflag:s0] =	ssyncadd.tile.s32 @!p0 $0x1;
	_ =	shalt  }
.Lfunc_end2:
_tile_overlayer_lowered:
.L_overlay_start_2:
0x74: {  	(tag) =	ssettag $0x2  }
0x75: {  	s0 =	rddreg [dreg:$0x0];
	s2 =	stileid.u32  }
0x76: {  	s1 =	rddreg [dreg:$0x1];
	p0 =	sne.s32 s2, $0x0  }
0x77: {  	s3 =	rddreg [dreg:$0x2];
	[bflag:$0x3] =	sbarrier.arrive $0xFFFF;
	s2 =	simm.s32 @!p0 $0x1C02  }
0x78: {  	[timem:s3], [sflag:s2] =	dma.local @!p0 [hbm:s0], s1  }
0x79: {  	s0 =	simm.s32 @!p0 $0x2  }
0x7a: {  	_ =	swait.ge @!p0 [sflag:s0], s1  }
0x7b: {  	s1 =	ssub.s32 @!p0 $0x0, s1;
	[sflag:s0] =	ssyncset.done @!p0 $0x0  }
0x7c: {  	[sflag:s0] =	ssyncadd.s32 @!p0 s1  }
0x7d: {  	[bflag:$0x3] =	sbarrier.arrive $0xFFFF  }
0x7e: {  	_ =	shalt  }

</sc_bundles>
